<compile_context>
chip_gen: v7x
topology: tpu7x:2x2x1
jax: 0.10.2.dev20260603
libtpu: 0.0.44.dev20260713+nightly
codegen_flags: <defaults>
</compile_context>

<pallas_src>
import functools

import jax
import jax.numpy as jnp
from jax import lax
from jax.experimental import pallas as pl
from jax.experimental.pallas import tpu as pltpu
from jax.experimental.pallas import tpu_sc as plsc

N = 1_000_000
NPAIR = 262_144

NT = 16
SEG = 62_528
NSTAGE = 4
STG = SEG // NSTAGE

PAIRS_PER_TILE = NPAIR // NT


def _sc_scatter_add(inp, idx, val):
    mesh = plsc.VectorSubcoreMesh(core_axis_name="c", subcore_axis_name="s",
                                  num_cores=1)

    @functools.partial(
        pl.kernel,
        mesh=mesh,
        out_type=jax.ShapeDtypeStruct((N,), jnp.int32),
        scratch_types=[
            pltpu.VMEM_SHARED((N,), jnp.int32),
            pltpu.VMEM((PAIRS_PER_TILE,), jnp.int32),
            pltpu.VMEM((PAIRS_PER_TILE,), jnp.int32),
            pltpu.VMEM((STG,), jnp.int32),
            pltpu.VMEM((STG,), jnp.int32),
            pltpu.SemaphoreType.DMA,
            pltpu.SemaphoreType.DMA,
            pltpu.SemaphoreType.DMA,
        ],
    )
    def k(in_hbm, idx_hbm, val_hbm, out_hbm, acc_sh, idx_v, val_v,
          stage_a, stage_b, sem_pair, sem_pull, sem_push):
        tid = lax.axis_index("s")
        bufs = (stage_a, stage_b)

        def off(c):
            o = tid * SEG + c * STG
            if c == NSTAGE - 1:
                o = jnp.minimum(o, N - STG)
            return o

        def ipull(c, buf):
            return pltpu.async_copy(in_hbm.at[pl.ds(off(c), STG)], buf,
                                    sem_pull)

        def ipush(c, buf):
            return pltpu.async_copy(buf, acc_sh.at[pl.ds(off(c), STG)],
                                    sem_push)

        pair0 = tid * PAIRS_PER_TILE
        p0 = ipull(0, stage_a)
        p1 = ipull(1, stage_b)
        p0.wait()
        s0 = ipush(0, stage_a)
        s0.wait()
        p2 = ipull(2, stage_a)
        cp_idx = pltpu.async_copy(
            idx_hbm.at[pl.ds(pair0, PAIRS_PER_TILE)], idx_v, sem_pair)
        p1.wait()
        s1 = ipush(1, stage_b)
        s1.wait()
        p3 = ipull(3, stage_b)
        cp_val = pltpu.async_copy(
            val_hbm.at[pl.ds(pair0, PAIRS_PER_TILE)], val_v, sem_pair)
        p2.wait()
        s2 = ipush(2, stage_a)
        p3.wait()
        s3 = ipush(3, stage_b)
        s2.wait()
        s3.wait()
        cp_idx.wait()
        cp_val.wait()
        plsc.subcore_barrier()

        pltpu.sync_copy(val_v, acc_sh.at[idx_v], add=True)

        plsc.subcore_barrier()

        wbufs = (stage_a, stage_b, idx_v.at[pl.ds(0, STG)],
                 val_v.at[pl.ds(0, STG)])
        pulls = [pltpu.async_copy(acc_sh.at[pl.ds(off(c), STG)], wbufs[c],
                                  sem_pull)
                 for c in range(NSTAGE)]
        pushes = []
        for c in range(NSTAGE):
            pulls[c].wait()
            pushes.append(pltpu.async_copy(wbufs[c],
                                           out_hbm.at[pl.ds(off(c), STG)],
                                           sem_push))
        for p in pushes:
            p.wait()

    return k(inp, idx, val)


def kernel(input, index, value):
    return _sc_scatter_add(input, index, value)

# --- scband reference (transcript-rebuilt; emitter-appended) ---
"""Pipeline reference for scband-index-put1-dint-accumulate-module-39444979647275 (READ-ONLY COPY).

The authoritative reference and input builder live on the scoring server;
editing this copy changes nothing except your own understanding.
"""

import jax, jax.numpy as jnp
import numpy as np

M = 1000000
B = 262144

def setup_inputs(seed: int = 0) -> dict:
    key = jax.random.key(seed)
    k1, k2, k3 = jax.random.split(key, 3)
    inp = jax.random.randint(k1, (M,), 0, 100, dtype=jnp.int32)
    index = jax.random.randint(k2, (B,), 0, M, dtype=jnp.int32)
    value = jax.random.randint(k3, (B,), 0, 100, dtype=jnp.int32)
    return {"input": inp, "index": index, "value": value}

def reference(input, index, value):
    # torch.ops.aten.index_put(input, (index,), value, accumulate=True)
    # == out-of-place scatter-add into a copy of `input`
    return input.at[index].add(value)

if __name__ == "__main__":
    import jax
    _d = setup_inputs()
    print(jax.jit(kernel)(*tuple(_d.values())))

</pallas_src>

<mosaic_0001>
#map = affine_map<(d0, d1) -> (0)>
module attributes {stable_mosaic.version = 14 : i64} {
  func.func @k(%arg0: i32, %arg1: i32, %arg2: memref<1000000xi32, #tpu.memory_space<hbm>>, %arg3: memref<262144xi32, #tpu.memory_space<hbm>>, %arg4: memref<262144xi32, #tpu.memory_space<hbm>>, %arg5: memref<1000000xi32, #tpu.memory_space<hbm>>, %arg6: memref<1000000xi32, #tpu.memory_space<vmem_shared>>, %arg7: memref<16384xi32, #tpu.memory_space<vmem>>, %arg8: memref<16384xi32, #tpu.memory_space<vmem>>, %arg9: memref<15632xi32, #tpu.memory_space<vmem>>, %arg10: memref<15632xi32, #tpu.memory_space<vmem>>, %arg11: memref<!tpu.dma_semaphore, #tpu.memory_space<semaphore_mem>>, %arg12: memref<!tpu.dma_semaphore, #tpu.memory_space<semaphore_mem>>, %arg13: memref<!tpu.dma_semaphore, #tpu.memory_space<semaphore_mem>>) attributes {dimension_semantics = [#tpu.dimension_semantics<core_parallel>, #tpu.dimension_semantics<subcore_parallel>], iteration_bounds = array<i64: 1, 16>, scalar_prefetch = 0 : i64, scratch_operands = 8 : i64, tpu.core_type = #tpu.core_type<sc_vector_subcore>, window_params = [{transform_indices = #map}, {transform_indices = #map}, {transform_indices = #map}, {transform_indices = #map}]} {
    %mul3A = arith.constant 16384 : i32
    %mul3A_0 = arith.muli %arg1, %mul3A : i32
    %mul3A_1 = arith.constant 62528 : i32
    %mul3A_2 = arith.muli %arg1, %mul3A_1 : i32
    %add3A = arith.constant 0 : i32
    %add3A_3 = arith.addi %mul3A_2, %add3A : i32
    %dma_start3A = tpu.memref_slice %arg2[%add3A_3] : memref<1000000xi32, #tpu.memory_space<hbm>> -> memref<15632xi32, #tpu.memory_space<hbm>>
    %dma_start3A_4 = tpu.memref_slice %arg2[%add3A_3] : memref<1000000xi32, #tpu.memory_space<hbm>> -> memref<15632xi32, #tpu.memory_space<hbm>>
    tpu.enqueue_dma source(%dma_start3A_4 : memref<15632xi32, #tpu.memory_space<hbm>>) target(%arg9 : memref<15632xi32, #tpu.memory_space<vmem>>) target_semaphore(%arg12 : memref<!tpu.dma_semaphore, #tpu.memory_space<semaphore_mem>>)
    %mul3A_5 = arith.constant 62528 : i32
    %mul3A_6 = arith.muli %arg1, %mul3A_5 : i32
    %add3A_7 = arith.constant 15632 : i32
    %add3A_8 = arith.addi %mul3A_6, %add3A_7 : i32
    %dma_start3A_9 = tpu.memref_slice %arg2[%add3A_8] : memref<1000000xi32, #tpu.memory_space<hbm>> -> memref<15632xi32, #tpu.memory_space<hbm>>
    %dma_start3A_10 = tpu.memref_slice %arg2[%add3A_8] : memref<1000000xi32, #tpu.memory_space<hbm>> -> memref<15632xi32, #tpu.memory_space<hbm>>
    tpu.enqueue_dma source(%dma_start3A_10 : memref<15632xi32, #tpu.memory_space<hbm>>) target(%arg10 : memref<15632xi32, #tpu.memory_space<vmem>>) target_semaphore(%arg12 : memref<!tpu.dma_semaphore, #tpu.memory_space<semaphore_mem>>)
    %dma_wait3A = tpu.memref_slice %arg2[%add3A_3] : memref<1000000xi32, #tpu.memory_space<hbm>> -> memref<15632xi32, #tpu.memory_space<hbm>>
    %dma_wait3A_11 = tpu.memref_slice %arg2[%add3A_3] : memref<1000000xi32, #tpu.memory_space<hbm>> -> memref<15632xi32, #tpu.memory_space<hbm>>
    tpu.wait_dma2 semaphore(%arg12 : memref<!tpu.dma_semaphore, #tpu.memory_space<semaphore_mem>>) src(%dma_wait3A_11 : memref<15632xi32, #tpu.memory_space<hbm>>) dst(%arg9 : memref<15632xi32, #tpu.memory_space<vmem>>)
    %mul3A_12 = arith.constant 62528 : i32
    %mul3A_13 = arith.muli %arg1, %mul3A_12 : i32
    %add3A_14 = arith.constant 0 : i32
    %add3A_15 = arith.addi %mul3A_13, %add3A_14 : i32
    %dma_start3A_16 = tpu.memref_slice %arg6[%add3A_15] : memref<1000000xi32, #tpu.memory_space<vmem_shared>> -> memref<15632xi32, #tpu.memory_space<vmem_shared>>
    %dma_start3A_17 = tpu.memref_slice %arg6[%add3A_15] : memref<1000000xi32, #tpu.memory_space<vmem_shared>> -> memref<15632xi32, #tpu.memory_space<vmem_shared>>
    tpu.enqueue_dma source(%arg9 : memref<15632xi32, #tpu.memory_space<vmem>>) target(%dma_start3A_17 : memref<15632xi32, #tpu.memory_space<vmem_shared>>) target_semaphore(%arg13 : memref<!tpu.dma_semaphore, #tpu.memory_space<semaphore_mem>>)
    %dma_wait3A_18 = tpu.memref_slice %arg6[%add3A_15] : memref<1000000xi32, #tpu.memory_space<vmem_shared>> -> memref<15632xi32, #tpu.memory_space<vmem_shared>>
    %dma_wait3A_19 = tpu.memref_slice %arg6[%add3A_15] : memref<1000000xi32, #tpu.memory_space<vmem_shared>> -> memref<15632xi32, #tpu.memory_space<vmem_shared>>
    tpu.wait_dma2 semaphore(%arg13 : memref<!tpu.dma_semaphore, #tpu.memory_space<semaphore_mem>>) src(%arg9 : memref<15632xi32, #tpu.memory_space<vmem>>) dst(%dma_wait3A_19 : memref<15632xi32, #tpu.memory_space<vmem_shared>>)
    %mul3A_20 = arith.constant 62528 : i32
    %mul3A_21 = arith.muli %arg1, %mul3A_20 : i32
    %add3A_22 = arith.constant 31264 : i32
    %add3A_23 = arith.addi %mul3A_21, %add3A_22 : i32
    %dma_start3A_24 = tpu.memref_slice %arg2[%add3A_23] : memref<1000000xi32, #tpu.memory_space<hbm>> -> memref<15632xi32, #tpu.memory_space<hbm>>
    %dma_start3A_25 = tpu.memref_slice %arg2[%add3A_23] : memref<1000000xi32, #tpu.memory_space<hbm>> -> memref<15632xi32, #tpu.memory_space<hbm>>
    tpu.enqueue_dma source(%dma_start3A_25 : memref<15632xi32, #tpu.memory_space<hbm>>) target(%arg9 : memref<15632xi32, #tpu.memory_space<vmem>>) target_semaphore(%arg12 : memref<!tpu.dma_semaphore, #tpu.memory_space<semaphore_mem>>)
    %dma_start3A_26 = tpu.memref_slice %arg3[%mul3A_0] : memref<262144xi32, #tpu.memory_space<hbm>> -> memref<16384xi32, #tpu.memory_space<hbm>>
    %dma_start3A_27 = tpu.memref_slice %arg3[%mul3A_0] : memref<262144xi32, #tpu.memory_space<hbm>> -> memref<16384xi32, #tpu.memory_space<hbm>>
    tpu.enqueue_dma source(%dma_start3A_27 : memref<16384xi32, #tpu.memory_space<hbm>>) target(%arg7 : memref<16384xi32, #tpu.memory_space<vmem>>) target_semaphore(%arg11 : memref<!tpu.dma_semaphore, #tpu.memory_space<semaphore_mem>>)
    %dma_wait3A_28 = tpu.memref_slice %arg2[%add3A_8] : memref<1000000xi32, #tpu.memory_space<hbm>> -> memref<15632xi32, #tpu.memory_space<hbm>>
    %dma_wait3A_29 = tpu.memref_slice %arg2[%add3A_8] : memref<1000000xi32, #tpu.memory_space<hbm>> -> memref<15632xi32, #tpu.memory_space<hbm>>
    tpu.wait_dma2 semaphore(%arg12 : memref<!tpu.dma_semaphore, #tpu.memory_space<semaphore_mem>>) src(%dma_wait3A_29 : memref<15632xi32, #tpu.memory_space<hbm>>) dst(%arg10 : memref<15632xi32, #tpu.memory_space<vmem>>)
    %mul3A_30 = arith.constant 62528 : i32
    %mul3A_31 = arith.muli %arg1, %mul3A_30 : i32
    %add3A_32 = arith.constant 15632 : i32
    %add3A_33 = arith.addi %mul3A_31, %add3A_32 : i32
    %dma_start3A_34 = tpu.memref_slice %arg6[%add3A_33] : memref<1000000xi32, #tpu.memory_space<vmem_shared>> -> memref<15632xi32, #tpu.memory_space<vmem_shared>>
    %dma_start3A_35 = tpu.memref_slice %arg6[%add3A_33] : memref<1000000xi32, #tpu.memory_space<vmem_shared>> -> memref<15632xi32, #tpu.memory_space<vmem_shared>>
    tpu.enqueue_dma source(%arg10 : memref<15632xi32, #tpu.memory_space<vmem>>) target(%dma_start3A_35 : memref<15632xi32, #tpu.memory_space<vmem_shared>>) target_semaphore(%arg13 : memref<!tpu.dma_semaphore, #tpu.memory_space<semaphore_mem>>)
    %dma_wait3A_36 = tpu.memref_slice %arg6[%add3A_33] : memref<1000000xi32, #tpu.memory_space<vmem_shared>> -> memref<15632xi32, #tpu.memory_space<vmem_shared>>
    %dma_wait3A_37 = tpu.memref_slice %arg6[%add3A_33] : memref<1000000xi32, #tpu.memory_space<vmem_shared>> -> memref<15632xi32, #tpu.memory_space<vmem_shared>>
    tpu.wait_dma2 semaphore(%arg13 : memref<!tpu.dma_semaphore, #tpu.memory_space<semaphore_mem>>) src(%arg10 : memref<15632xi32, #tpu.memory_space<vmem>>) dst(%dma_wait3A_37 : memref<15632xi32, #tpu.memory_space<vmem_shared>>)
    %mul3A_38 = arith.constant 62528 : i32
    %mul3A_39 = arith.muli %arg1, %mul3A_38 : i32
    %add3A_40 = arith.constant 46896 : i32
    %add3A_41 = arith.addi %mul3A_39, %add3A_40 : i32
    %min3A = arith.constant 984368 : i32
    %min3A_42 = arith.minsi %add3A_41, %min3A : i32
    %dma_start3A_43 = tpu.memref_slice %arg2[%min3A_42] : memref<1000000xi32, #tpu.memory_space<hbm>> -> memref<15632xi32, #tpu.memory_space<hbm>>
    %dma_start3A_44 = tpu.memref_slice %arg2[%min3A_42] : memref<1000000xi32, #tpu.memory_space<hbm>> -> memref<15632xi32, #tpu.memory_space<hbm>>
    tpu.enqueue_dma source(%dma_start3A_44 : memref<15632xi32, #tpu.memory_space<hbm>>) target(%arg10 : memref<15632xi32, #tpu.memory_space<vmem>>) target_semaphore(%arg12 : memref<!tpu.dma_semaphore, #tpu.memory_space<semaphore_mem>>)
    %dma_start3A_45 = tpu.memref_slice %arg4[%mul3A_0] : memref<262144xi32, #tpu.memory_space<hbm>> -> memref<16384xi32, #tpu.memory_space<hbm>>
    %dma_start3A_46 = tpu.memref_slice %arg4[%mul3A_0] : memref<262144xi32, #tpu.memory_space<hbm>> -> memref<16384xi32, #tpu.memory_space<hbm>>
    tpu.enqueue_dma source(%dma_start3A_46 : memref<16384xi32, #tpu.memory_space<hbm>>) target(%arg8 : memref<16384xi32, #tpu.memory_space<vmem>>) target_semaphore(%arg11 : memref<!tpu.dma_semaphore, #tpu.memory_space<semaphore_mem>>)
    %dma_wait3A_47 = tpu.memref_slice %arg2[%add3A_23] : memref<1000000xi32, #tpu.memory_space<hbm>> -> memref<15632xi32, #tpu.memory_space<hbm>>
    %dma_wait3A_48 = tpu.memref_slice %arg2[%add3A_23] : memref<1000000xi32, #tpu.memory_space<hbm>> -> memref<15632xi32, #tpu.memory_space<hbm>>
    tpu.wait_dma2 semaphore(%arg12 : memref<!tpu.dma_semaphore, #tpu.memory_space<semaphore_mem>>) src(%dma_wait3A_48 : memref<15632xi32, #tpu.memory_space<hbm>>) dst(%arg9 : memref<15632xi32, #tpu.memory_space<vmem>>)
    %mul3A_49 = arith.constant 62528 : i32
    %mul3A_50 = arith.muli %arg1, %mul3A_49 : i32
    %add3A_51 = arith.constant 31264 : i32
    %add3A_52 = arith.addi %mul3A_50, %add3A_51 : i32
    %dma_start3A_53 = tpu.memref_slice %arg6[%add3A_52] : memref<1000000xi32, #tpu.memory_space<vmem_shared>> -> memref<15632xi32, #tpu.memory_space<vmem_shared>>
    %dma_start3A_54 = tpu.memref_slice %arg6[%add3A_52] : memref<1000000xi32, #tpu.memory_space<vmem_shared>> -> memref<15632xi32, #tpu.memory_space<vmem_shared>>
    tpu.enqueue_dma source(%arg9 : memref<15632xi32, #tpu.memory_space<vmem>>) target(%dma_start3A_54 : memref<15632xi32, #tpu.memory_space<vmem_shared>>) target_semaphore(%arg13 : memref<!tpu.dma_semaphore, #tpu.memory_space<semaphore_mem>>)
    %dma_wait3A_55 = tpu.memref_slice %arg2[%min3A_42] : memref<1000000xi32, #tpu.memory_space<hbm>> -> memref<15632xi32, #tpu.memory_space<hbm>>
    %dma_wait3A_56 = tpu.memref_slice %arg2[%min3A_42] : memref<1000000xi32, #tpu.memory_space<hbm>> -> memref<15632xi32, #tpu.memory_space<hbm>>
    tpu.wait_dma2 semaphore(%arg12 : memref<!tpu.dma_semaphore, #tpu.memory_space<semaphore_mem>>) src(%dma_wait3A_56 : memref<15632xi32, #tpu.memory_space<hbm>>) dst(%arg10 : memref<15632xi32, #tpu.memory_space<vmem>>)
    %mul3A_57 = arith.constant 62528 : i32
    %mul3A_58 = arith.muli %arg1, %mul3A_57 : i32
    %add3A_59 = arith.constant 46896 : i32
    %add3A_60 = arith.addi %mul3A_58, %add3A_59 : i32
    %min3A_61 = arith.constant 984368 : i32
    %min3A_62 = arith.minsi %add3A_60, %min3A_61 : i32
    %dma_start3A_63 = tpu.memref_slice %arg6[%min3A_62] : memref<1000000xi32, #tpu.memory_space<vmem_shared>> -> memref<15632xi32, #tpu.memory_space<vmem_shared>>
    %dma_start3A_64 = tpu.memref_slice %arg6[%min3A_62] : memref<1000000xi32, #tpu.memory_space<vmem_shared>> -> memref<15632xi32, #tpu.memory_space<vmem_shared>>
    tpu.enqueue_dma source(%arg10 : memref<15632xi32, #tpu.memory_space<vmem>>) target(%dma_start3A_64 : memref<15632xi32, #tpu.memory_space<vmem_shared>>) target_semaphore(%arg13 : memref<!tpu.dma_semaphore, #tpu.memory_space<semaphore_mem>>)
    %dma_wait3A_65 = tpu.memref_slice %arg6[%add3A_52] : memref<1000000xi32, #tpu.memory_space<vmem_shared>> -> memref<15632xi32, #tpu.memory_space<vmem_shared>>
    %dma_wait3A_66 = tpu.memref_slice %arg6[%add3A_52] : memref<1000000xi32, #tpu.memory_space<vmem_shared>> -> memref<15632xi32, #tpu.memory_space<vmem_shared>>
    tpu.wait_dma2 semaphore(%arg13 : memref<!tpu.dma_semaphore, #tpu.memory_space<semaphore_mem>>) src(%arg9 : memref<15632xi32, #tpu.memory_space<vmem>>) dst(%dma_wait3A_66 : memref<15632xi32, #tpu.memory_space<vmem_shared>>)
    %dma_wait3A_67 = tpu.memref_slice %arg6[%min3A_62] : memref<1000000xi32, #tpu.memory_space<vmem_shared>> -> memref<15632xi32, #tpu.memory_space<vmem_shared>>
    %dma_wait3A_68 = tpu.memref_slice %arg6[%min3A_62] : memref<1000000xi32, #tpu.memory_space<vmem_shared>> -> memref<15632xi32, #tpu.memory_space<vmem_shared>>
    tpu.wait_dma2 semaphore(%arg13 : memref<!tpu.dma_semaphore, #tpu.memory_space<semaphore_mem>>) src(%arg10 : memref<15632xi32, #tpu.memory_space<vmem>>) dst(%dma_wait3A_68 : memref<15632xi32, #tpu.memory_space<vmem_shared>>)
    %dma_wait3A_69 = tpu.memref_slice %arg3[%mul3A_0] : memref<262144xi32, #tpu.memory_space<hbm>> -> memref<16384xi32, #tpu.memory_space<hbm>>
    %dma_wait3A_70 = tpu.memref_slice %arg3[%mul3A_0] : memref<262144xi32, #tpu.memory_space<hbm>> -> memref<16384xi32, #tpu.memory_space<hbm>>
    tpu.wait_dma2 semaphore(%arg11 : memref<!tpu.dma_semaphore, #tpu.memory_space<semaphore_mem>>) src(%dma_wait3A_70 : memref<16384xi32, #tpu.memory_space<hbm>>) dst(%arg7 : memref<16384xi32, #tpu.memory_space<vmem>>)
    %dma_wait3A_71 = tpu.memref_slice %arg4[%mul3A_0] : memref<262144xi32, #tpu.memory_space<hbm>> -> memref<16384xi32, #tpu.memory_space<hbm>>
    %dma_wait3A_72 = tpu.memref_slice %arg4[%mul3A_0] : memref<262144xi32, #tpu.memory_space<hbm>> -> memref<16384xi32, #tpu.memory_space<hbm>>
    tpu.wait_dma2 semaphore(%arg11 : memref<!tpu.dma_semaphore, #tpu.memory_space<semaphore_mem>>) src(%dma_wait3A_72 : memref<16384xi32, #tpu.memory_space<hbm>>) dst(%arg8 : memref<16384xi32, #tpu.memory_space<vmem>>)
    %barrier3A = arith.constant 0 : index
    tpu.barrier barrier_id(%barrier3A)
    "tpu.region"() ({
      %run_scoped3A = tpu.sem_alloc : memref<!tpu.dma_semaphore, #tpu.memory_space<semaphore_mem>>
      %dma_start3A_174 = arith.constant 0 : i32
      %dma_start3A_175 = tpu.memref_slice %arg6[%dma_start3A_174] : memref<1000000xi32, #tpu.memory_space<vmem_shared>> -> memref<1000000xi32, #tpu.memory_space<vmem_shared>>
      tpu.enqueue_indirect_dma source(%arg8 : memref<16384xi32, #tpu.memory_space<vmem>>) target(%dma_start3A_175 : memref<1000000xi32, #tpu.memory_space<vmem_shared>>) offsets(%arg7 : memref<16384xi32, #tpu.memory_space<vmem>>) semaphore(%run_scoped3A : memref<!tpu.dma_semaphore, #tpu.memory_space<semaphore_mem>>) {add = true}
      %dma_wait3A_176 = arith.constant 0 : i32
      %dma_wait3A_177 = tpu.memref_slice %arg6[%dma_wait3A_176] : memref<1000000xi32, #tpu.memory_space<vmem_shared>> -> memref<1000000xi32, #tpu.memory_space<vmem_shared>>
      tpu.wait_indirect_dma semaphore(%run_scoped3A : memref<!tpu.dma_semaphore, #tpu.memory_space<semaphore_mem>>) src(%arg8 : memref<16384xi32, #tpu.memory_space<vmem>>) dst(%dma_wait3A_177 : memref<1000000xi32, #tpu.memory_space<vmem_shared>>)
      tpu.yield
    }) : () -> ()
    %barrier3A_73 = arith.constant 0 : index
    tpu.barrier barrier_id(%barrier3A_73)
    %mul3A_74 = arith.constant 62528 : i32
    %mul3A_75 = arith.muli %arg1, %mul3A_74 : i32
    %add3A_76 = arith.constant 0 : i32
    %add3A_77 = arith.addi %mul3A_75, %add3A_76 : i32
    %dma_start3A_78 = tpu.memref_slice %arg6[%add3A_77] : memref<1000000xi32, #tpu.memory_space<vmem_shared>> -> memref<15632xi32, #tpu.memory_space<vmem_shared>>
    %dma_start3A_79 = tpu.memref_slice %arg6[%add3A_77] : memref<1000000xi32, #tpu.memory_space<vmem_shared>> -> memref<15632xi32, #tpu.memory_space<vmem_shared>>
    tpu.enqueue_dma source(%dma_start3A_79 : memref<15632xi32, #tpu.memory_space<vmem_shared>>) target(%arg9 : memref<15632xi32, #tpu.memory_space<vmem>>) target_semaphore(%arg12 : memref<!tpu.dma_semaphore, #tpu.memory_space<semaphore_mem>>)
    %mul3A_80 = arith.constant 62528 : i32
    %mul3A_81 = arith.muli %arg1, %mul3A_80 : i32
    %add3A_82 = arith.constant 15632 : i32
    %add3A_83 = arith.addi %mul3A_81, %add3A_82 : i32
    %dma_start3A_84 = tpu.memref_slice %arg6[%add3A_83] : memref<1000000xi32, #tpu.memory_space<vmem_shared>> -> memref<15632xi32, #tpu.memory_space<vmem_shared>>
    %dma_start3A_85 = tpu.memref_slice %arg6[%add3A_83] : memref<1000000xi32, #tpu.memory_space<vmem_shared>> -> memref<15632xi32, #tpu.memory_space<vmem_shared>>
    tpu.enqueue_dma source(%dma_start3A_85 : memref<15632xi32, #tpu.memory_space<vmem_shared>>) target(%arg10 : memref<15632xi32, #tpu.memory_space<vmem>>) target_semaphore(%arg12 : memref<!tpu.dma_semaphore, #tpu.memory_space<semaphore_mem>>)
    %mul3A_86 = arith.constant 62528 : i32
    %mul3A_87 = arith.muli %arg1, %mul3A_86 : i32
    %add3A_88 = arith.constant 31264 : i32
    %add3A_89 = arith.addi %mul3A_87, %add3A_88 : i32
    %dma_start3A_90 = arith.constant 0 : i32
    %dma_start3A_91 = tpu.memref_slice %arg7[%dma_start3A_90] : memref<16384xi32, #tpu.memory_space<vmem>> -> memref<15632xi32, #tpu.memory_space<vmem>>
    %dma_start3A_92 = tpu.memref_slice %arg6[%add3A_89] : memref<1000000xi32, #tpu.memory_space<vmem_shared>> -> memref<15632xi32, #tpu.memory_space<vmem_shared>>
    %dma_start3A_93 = arith.constant 0 : i32
    %dma_start3A_94 = tpu.memref_slice %arg7[%dma_start3A_93] : memref<16384xi32, #tpu.memory_space<vmem>> -> memref<15632xi32, #tpu.memory_space<vmem>>
    %dma_start3A_95 = tpu.memref_slice %arg6[%add3A_89] : memref<1000000xi32, #tpu.memory_space<vmem_shared>> -> memref<15632xi32, #tpu.memory_space<vmem_shared>>
    tpu.enqueue_dma source(%dma_start3A_95 : memref<15632xi32, #tpu.memory_space<vmem_shared>>) target(%dma_start3A_94 : memref<15632xi32, #tpu.memory_space<vmem>>) target_semaphore(%arg12 : memref<!tpu.dma_semaphore, #tpu.memory_space<semaphore_mem>>)
    %mul3A_96 = arith.constant 62528 : i32
    %mul3A_97 = arith.muli %arg1, %mul3A_96 : i32
    %add3A_98 = arith.constant 46896 : i32
    %add3A_99 = arith.addi %mul3A_97, %add3A_98 : i32
    %min3A_100 = arith.constant 984368 : i32
    %min3A_101 = arith.minsi %add3A_99, %min3A_100 : i32
    %dma_start3A_102 = arith.constant 0 : i32
    %dma_start3A_103 = tpu.memref_slice %arg8[%dma_start3A_102] : memref<16384xi32, #tpu.memory_space<vmem>> -> memref<15632xi32, #tpu.memory_space<vmem>>
    %dma_start3A_104 = tpu.memref_slice %arg6[%min3A_101] : memref<1000000xi32, #tpu.memory_space<vmem_shared>> -> memref<15632xi32, #tpu.memory_space<vmem_shared>>
    %dma_start3A_105 = arith.constant 0 : i32
    %dma_start3A_106 = tpu.memref_slice %arg8[%dma_start3A_105] : memref<16384xi32, #tpu.memory_space<vmem>> -> memref<15632xi32, #tpu.memory_space<vmem>>
    %dma_start3A_107 = tpu.memref_slice %arg6[%min3A_101] : memref<1000000xi32, #tpu.memory_space<vmem_shared>> -> memref<15632xi32, #tpu.memory_space<vmem_shared>>
    tpu.enqueue_dma source(%dma_start3A_107 : memref<15632xi32, #tpu.memory_space<vmem_shared>>) target(%dma_start3A_106 : memref<15632xi32, #tpu.memory_space<vmem>>) target_semaphore(%arg12 : memref<!tpu.dma_semaphore, #tpu.memory_space<semaphore_mem>>)
    %dma_wait3A_108 = tpu.memref_slice %arg6[%add3A_77] : memref<1000000xi32, #tpu.memory_space<vmem_shared>> -> memref<15632xi32, #tpu.memory_space<vmem_shared>>
    %dma_wait3A_109 = tpu.memref_slice %arg6[%add3A_77] : memref<1000000xi32, #tpu.memory_space<vmem_shared>> -> memref<15632xi32, #tpu.memory_space<vmem_shared>>
    tpu.wait_dma2 semaphore(%arg12 : memref<!tpu.dma_semaphore, #tpu.memory_space<semaphore_mem>>) src(%dma_wait3A_109 : memref<15632xi32, #tpu.memory_space<vmem_shared>>) dst(%arg9 : memref<15632xi32, #tpu.memory_space<vmem>>)
    %mul3A_110 = arith.constant 62528 : i32
    %mul3A_111 = arith.muli %arg1, %mul3A_110 : i32
    %add3A_112 = arith.constant 0 : i32
    %add3A_113 = arith.addi %mul3A_111, %add3A_112 : i32
    %dma_start3A_114 = tpu.memref_slice %arg5[%add3A_113] : memref<1000000xi32, #tpu.memory_space<hbm>> -> memref<15632xi32, #tpu.memory_space<hbm>>
    %dma_start3A_115 = tpu.memref_slice %arg5[%add3A_113] : memref<1000000xi32, #tpu.memory_space<hbm>> -> memref<15632xi32, #tpu.memory_space<hbm>>
    tpu.enqueue_dma source(%arg9 : memref<15632xi32, #tpu.memory_space<vmem>>) target(%dma_start3A_115 : memref<15632xi32, #tpu.memory_space<hbm>>) target_semaphore(%arg13 : memref<!tpu.dma_semaphore, #tpu.memory_space<semaphore_mem>>)
    %dma_wait3A_116 = tpu.memref_slice %arg6[%add3A_83] : memref<1000000xi32, #tpu.memory_space<vmem_shared>> -> memref<15632xi32, #tpu.memory_space<vmem_shared>>
    %dma_wait3A_117 = tpu.memref_slice %arg6[%add3A_83] : memref<1000000xi32, #tpu.memory_space<vmem_shared>> -> memref<15632xi32, #tpu.memory_space<vmem_shared>>
    tpu.wait_dma2 semaphore(%arg12 : memref<!tpu.dma_semaphore, #tpu.memory_space<semaphore_mem>>) src(%dma_wait3A_117 : memref<15632xi32, #tpu.memory_space<vmem_shared>>) dst(%arg10 : memref<15632xi32, #tpu.memory_space<vmem>>)
    %mul3A_118 = arith.constant 62528 : i32
    %mul3A_119 = arith.muli %arg1, %mul3A_118 : i32
    %add3A_120 = arith.constant 15632 : i32
    %add3A_121 = arith.addi %mul3A_119, %add3A_120 : i32
    %dma_start3A_122 = tpu.memref_slice %arg5[%add3A_121] : memref<1000000xi32, #tpu.memory_space<hbm>> -> memref<15632xi32, #tpu.memory_space<hbm>>
    %dma_start3A_123 = tpu.memref_slice %arg5[%add3A_121] : memref<1000000xi32, #tpu.memory_space<hbm>> -> memref<15632xi32, #tpu.memory_space<hbm>>
    tpu.enqueue_dma source(%arg10 : memref<15632xi32, #tpu.memory_space<vmem>>) target(%dma_start3A_123 : memref<15632xi32, #tpu.memory_space<hbm>>) target_semaphore(%arg13 : memref<!tpu.dma_semaphore, #tpu.memory_space<semaphore_mem>>)
    %dma_wait3A_124 = arith.constant 0 : i32
    %dma_wait3A_125 = tpu.memref_slice %arg7[%dma_wait3A_124] : memref<16384xi32, #tpu.memory_space<vmem>> -> memref<15632xi32, #tpu.memory_space<vmem>>
    %dma_wait3A_126 = tpu.memref_slice %arg6[%add3A_89] : memref<1000000xi32, #tpu.memory_space<vmem_shared>> -> memref<15632xi32, #tpu.memory_space<vmem_shared>>
    %dma_wait3A_127 = arith.constant 0 : i32
    %dma_wait3A_128 = tpu.memref_slice %arg7[%dma_wait3A_127] : memref<16384xi32, #tpu.memory_space<vmem>> -> memref<15632xi32, #tpu.memory_space<vmem>>
    %dma_wait3A_129 = tpu.memref_slice %arg6[%add3A_89] : memref<1000000xi32, #tpu.memory_space<vmem_shared>> -> memref<15632xi32, #tpu.memory_space<vmem_shared>>
    tpu.wait_dma2 semaphore(%arg12 : memref<!tpu.dma_semaphore, #tpu.memory_space<semaphore_mem>>) src(%dma_wait3A_129 : memref<15632xi32, #tpu.memory_space<vmem_shared>>) dst(%dma_wait3A_128 : memref<15632xi32, #tpu.memory_space<vmem>>)
    %mul3A_130 = arith.constant 62528 : i32
    %mul3A_131 = arith.muli %arg1, %mul3A_130 : i32
    %add3A_132 = arith.constant 31264 : i32
    %add3A_133 = arith.addi %mul3A_131, %add3A_132 : i32
    %dma_start3A_134 = arith.constant 0 : i32
    %dma_start3A_135 = tpu.memref_slice %arg7[%dma_start3A_134] : memref<16384xi32, #tpu.memory_space<vmem>> -> memref<15632xi32, #tpu.memory_space<vmem>>
    %dma_start3A_136 = tpu.memref_slice %arg5[%add3A_133] : memref<1000000xi32, #tpu.memory_space<hbm>> -> memref<15632xi32, #tpu.memory_space<hbm>>
    %dma_start3A_137 = tpu.memref_slice %arg5[%add3A_133] : memref<1000000xi32, #tpu.memory_space<hbm>> -> memref<15632xi32, #tpu.memory_space<hbm>>
    %dma_start3A_138 = arith.constant 0 : i32
    %dma_start3A_139 = tpu.memref_slice %arg7[%dma_start3A_138] : memref<16384xi32, #tpu.memory_space<vmem>> -> memref<15632xi32, #tpu.memory_space<vmem>>
    tpu.enqueue_dma source(%dma_start3A_139 : memref<15632xi32, #tpu.memory_space<vmem>>) target(%dma_start3A_137 : memref<15632xi32, #tpu.memory_space<hbm>>) target_semaphore(%arg13 : memref<!tpu.dma_semaphore, #tpu.memory_space<semaphore_mem>>)
    %dma_wait3A_140 = arith.constant 0 : i32
    %dma_wait3A_141 = tpu.memref_slice %arg8[%dma_wait3A_140] : memref<16384xi32, #tpu.memory_space<vmem>> -> memref<15632xi32, #tpu.memory_space<vmem>>
    %dma_wait3A_142 = tpu.memref_slice %arg6[%min3A_101] : memref<1000000xi32, #tpu.memory_space<vmem_shared>> -> memref<15632xi32, #tpu.memory_space<vmem_shared>>
    %dma_wait3A_143 = arith.constant 0 : i32
    %dma_wait3A_144 = tpu.memref_slice %arg8[%dma_wait3A_143] : memref<16384xi32, #tpu.memory_space<vmem>> -> memref<15632xi32, #tpu.memory_space<vmem>>
    %dma_wait3A_145 = tpu.memref_slice %arg6[%min3A_101] : memref<1000000xi32, #tpu.memory_space<vmem_shared>> -> memref<15632xi32, #tpu.memory_space<vmem_shared>>
    tpu.wait_dma2 semaphore(%arg12 : memref<!tpu.dma_semaphore, #tpu.memory_space<semaphore_mem>>) src(%dma_wait3A_145 : memref<15632xi32, #tpu.memory_space<vmem_shared>>) dst(%dma_wait3A_144 : memref<15632xi32, #tpu.memory_space<vmem>>)
    %mul3A_146 = arith.constant 62528 : i32
    %mul3A_147 = arith.muli %arg1, %mul3A_146 : i32
    %add3A_148 = arith.constant 46896 : i32
    %add3A_149 = arith.addi %mul3A_147, %add3A_148 : i32
    %min3A_150 = arith.constant 984368 : i32
    %min3A_151 = arith.minsi %add3A_149, %min3A_150 : i32
    %dma_start3A_152 = arith.constant 0 : i32
    %dma_start3A_153 = tpu.memref_slice %arg8[%dma_start3A_152] : memref<16384xi32, #tpu.memory_space<vmem>> -> memref<15632xi32, #tpu.memory_space<vmem>>
    %dma_start3A_154 = tpu.memref_slice %arg5[%min3A_151] : memref<1000000xi32, #tpu.memory_space<hbm>> -> memref<15632xi32, #tpu.memory_space<hbm>>
    %dma_start3A_155 = tpu.memref_slice %arg5[%min3A_151] : memref<1000000xi32, #tpu.memory_space<hbm>> -> memref<15632xi32, #tpu.memory_space<hbm>>
    %dma_start3A_156 = arith.constant 0 : i32
    %dma_start3A_157 = tpu.memref_slice %arg8[%dma_start3A_156] : memref<16384xi32, #tpu.memory_space<vmem>> -> memref<15632xi32, #tpu.memory_space<vmem>>
    tpu.enqueue_dma source(%dma_start3A_157 : memref<15632xi32, #tpu.memory_space<vmem>>) target(%dma_start3A_155 : memref<15632xi32, #tpu.memory_space<hbm>>) target_semaphore(%arg13 : memref<!tpu.dma_semaphore, #tpu.memory_space<semaphore_mem>>)
    %dma_wait3A_158 = tpu.memref_slice %arg5[%add3A_113] : memref<1000000xi32, #tpu.memory_space<hbm>> -> memref<15632xi32, #tpu.memory_space<hbm>>
    %dma_wait3A_159 = tpu.memref_slice %arg5[%add3A_113] : memref<1000000xi32, #tpu.memory_space<hbm>> -> memref<15632xi32, #tpu.memory_space<hbm>>
    tpu.wait_dma2 semaphore(%arg13 : memref<!tpu.dma_semaphore, #tpu.memory_space<semaphore_mem>>) src(%arg9 : memref<15632xi32, #tpu.memory_space<vmem>>) dst(%dma_wait3A_159 : memref<15632xi32, #tpu.memory_space<hbm>>)
    %dma_wait3A_160 = tpu.memref_slice %arg5[%add3A_121] : memref<1000000xi32, #tpu.memory_space<hbm>> -> memref<15632xi32, #tpu.memory_space<hbm>>
    %dma_wait3A_161 = tpu.memref_slice %arg5[%add3A_121] : memref<1000000xi32, #tpu.memory_space<hbm>> -> memref<15632xi32, #tpu.memory_space<hbm>>
    tpu.wait_dma2 semaphore(%arg13 : memref<!tpu.dma_semaphore, #tpu.memory_space<semaphore_mem>>) src(%arg10 : memref<15632xi32, #tpu.memory_space<vmem>>) dst(%dma_wait3A_161 : memref<15632xi32, #tpu.memory_space<hbm>>)
    %dma_wait3A_162 = arith.constant 0 : i32
    %dma_wait3A_163 = tpu.memref_slice %arg7[%dma_wait3A_162] : memref<16384xi32, #tpu.memory_space<vmem>> -> memref<15632xi32, #tpu.memory_space<vmem>>
    %dma_wait3A_164 = tpu.memref_slice %arg5[%add3A_133] : memref<1000000xi32, #tpu.memory_space<hbm>> -> memref<15632xi32, #tpu.memory_space<hbm>>
    %dma_wait3A_165 = tpu.memref_slice %arg5[%add3A_133] : memref<1000000xi32, #tpu.memory_space<hbm>> -> memref<15632xi32, #tpu.memory_space<hbm>>
    %dma_wait3A_166 = arith.constant 0 : i32
    %dma_wait3A_167 = tpu.memref_slice %arg7[%dma_wait3A_166] : memref<16384xi32, #tpu.memory_space<vmem>> -> memref<15632xi32, #tpu.memory_space<vmem>>
    tpu.wait_dma2 semaphore(%arg13 : memref<!tpu.dma_semaphore, #tpu.memory_space<semaphore_mem>>) src(%dma_wait3A_167 : memref<15632xi32, #tpu.memory_space<vmem>>) dst(%dma_wait3A_165 : memref<15632xi32, #tpu.memory_space<hbm>>)
    %dma_wait3A_168 = arith.constant 0 : i32
    %dma_wait3A_169 = tpu.memref_slice %arg8[%dma_wait3A_168] : memref<16384xi32, #tpu.memory_space<vmem>> -> memref<15632xi32, #tpu.memory_space<vmem>>
    %dma_wait3A_170 = tpu.memref_slice %arg5[%min3A_151] : memref<1000000xi32, #tpu.memory_space<hbm>> -> memref<15632xi32, #tpu.memory_space<hbm>>
    %dma_wait3A_171 = tpu.memref_slice %arg5[%min3A_151] : memref<1000000xi32, #tpu.memory_space<hbm>> -> memref<15632xi32, #tpu.memory_space<hbm>>
    %dma_wait3A_172 = arith.constant 0 : i32
    %dma_wait3A_173 = tpu.memref_slice %arg8[%dma_wait3A_172] : memref<16384xi32, #tpu.memory_space<vmem>> -> memref<15632xi32, #tpu.memory_space<vmem>>
    tpu.wait_dma2 semaphore(%arg13 : memref<!tpu.dma_semaphore, #tpu.memory_space<semaphore_mem>>) src(%dma_wait3A_173 : memref<15632xi32, #tpu.memory_space<vmem>>) dst(%dma_wait3A_171 : memref<15632xi32, #tpu.memory_space<hbm>>)
    return
  }
}

</mosaic_0001>

<sc_bundles>
// kernel: kernel.3.cloned.1.call-start
scs
__scs_entry_jumppad:
0x0: {  	(pc) =	sbr.rel $0x88, $3  }
0x1: {  	(tag) =	ssettag $0x0;
	lr =	simm.s32 $0x1  }
0x2: {  	[smem:$0x3F9E] =	sst lr;
	_ =	strace $0xD0000000  }
0x3: {  	_ = 	snop  }
0x4: {  	_ = 	snop  }
0x5: {  	_ = 	snop  }
0x6: {  	_ = 	snop  }
0x7: {  	_ = 	snop  }
__scs_overlays_trampoline_lowered:
0x8: {  	[smem:$0x3FAD] =	sst s0  }
0x9: {  	[smem:$0x3FAE] =	sst s1  }
0xa: {  	[smem:$0x3FAF] =	sst s2  }
0xb: {  	[smem:$0x3FB0] =	sst s3  }
0xc: {  	[smem:$0x3FB1] =	sst s4  }
0xd: {  	[smem:$0x3FB2] =	sst s5  }
0xe: {  	[smem:$0x3FB3] =	sst s6  }
0xf: {  	[smem:$0x3FB4] =	sst s7  }
0x10: {  	[smem:$0x3FB5] =	sst s8  }
0x11: {  	[smem:$0x3FB6] =	sst s9;
	s0 =	simm.s32 @!p0 $0x0  }
0x12: {  	s1 =	sld [smem:$0x3F9C];
	s0 =	simm.s32 @p0 $0x1  }
0x13: {  	[smem:$0x3FB7] =	sst s0;
	s0 =	simm.s32 @!p1 $0x0  }
0x14: {  	s2 =	sld [smem:$0x3F9B];
	s0 =	simm.s32 @p1 $0x1  }
0x15: {  	[smem:$0x3FB8] =	sst s0;
	s0 =	simm.s32 @!p2 $0x0  }
0x16: {  	s3 =	sld [smem:$0x3FDB];
	s0 =	simm.s32 @p2 $0x1  }
0x17: {  	s4 =	simm.s32 $0x1BF5;
	[smem:$0x3FBA] =	sst s0  }
0x18: {  	s0 =	sld [smem:$0x3F9D];
	_ =	swait.ge [sflag:s4], $0x0  }
0x19: {  	s7 =	sld [smem:$0x3F9E]  }
0x1a: {  	s8 =	sadd.s32 $0xFFFFE003, lr  }
0x1b: {  	s9 =	sadd.s32 $0xFFFFFEF7, lr;
	s5 =	simm.s32 $0xFFFFFFFF;
	p2 =	slt.u32 s8, $0xFFFFF086  }
0x1c: {  	p1 =	slt.u32 s9, $0xF7A;
	s5 =	simm.s32 @!p2 $0x0  }
0x1d: {  	s5 =	simm.s32 @p1 $0x1;
	p0 =	seq.s32 s7, s2  }
0x1e: {  	s7 =	smul.u32 @!p0 $0xF7A, s2;
	p2 =	seq.s32 @!p0 s5, $0x0  }
0x1f: {  	s9 =	smul.u32 $0xF7A, s1;
	s8 =	simm.s32 @!p0 $0x1BF5;
	p2 =	por !p2, p0  }
0x20: {  	[sflag:s8] =	ssyncset.s32 @!p0 $0xFFFFF086;
	s6 =	sadd.s32 @!p0 s3, s7;
	s7 =	simm.s32 @!p0 $0x108  }
0x21: {  	s3 =	sadd.s32 s3, s9;
	s6 =	sadd.s32 @!p0 $0x88, s6;
	s7 =	simm.s32 @p2 $0x1082  }
0x22: {  	[simem:s7], [sflag:s8] =	dma.local @!p0 [hbm:s6], $0xF7A  }
0x23: {  	s9 =	sor.u32 $0xD0000000, s2;
	s6 =	simm.s32 $0x108;
	_ =	swait.ge @!p0 [sflag:s8], $0x0  }
0x24: {  	s3 =	sadd.s32 $0x88, s3;
	s6 =	simm.s32 @!p1 $0x1082;
	[sflag:s4] =	ssyncset.s32 $0xFFFFF086  }
0x25: {  	[simem:s6], [sflag:s4] =	dma.local [hbm:s3], $0xF7A  }
0x26: {  	[smem:$0x3F9E] =	sst s1;
	(tag) =	ssettag s2;
	_ =	strace s9  }
0x27: {  	s1 =	sld [smem:$0x3FAE]  }
0x28: {  	s2 =	sld [smem:$0x3FAF]  }
0x29: {  	s4 =	sld [smem:$0x3FB1]  }
0x2a: {  	p0 =	seq.s32 s5, $0x0;
	s5 =	sld [smem:$0x3FB2]  }
0x2b: {  	s6 =	sld [smem:$0x3FB3]  }
0x2c: {  	s7 =	sld [smem:$0x3FB4]  }
0x2d: {  	s3 =	simm.s32 $0x108;
	s8 =	sld [smem:$0x3FB5]  }
0x2e: {  	s3 =	simm.s32 @!p0 $0x1082;
	s9 =	sld [smem:$0x3FB6]  }
0x2f: {  	lr =	sadd.s32 s0, s3;
	s0 =	sld [smem:$0x3FAD]  }
0x30: {  	s3 =	sld [smem:$0x3FB0]  }
0x31: {  	[smem:$0x3FB9] =	sst s10  }
0x32: {  	s10 =	sld [smem:$0x3FB7];
	_ =	sdelay $0x3  }
0x33: {  	p0 =	seq.s32 s10, $0x1;
	s10 =	sld [smem:$0x3FB9];
	_ =	sdelay $0x3  }
0x34: {  	[smem:$0x3FB9] =	sst s10  }
0x35: {  	s10 =	sld [smem:$0x3FB8];
	_ =	sdelay $0x3  }
0x36: {  	p1 =	seq.s32 s10, $0x1;
	s10 =	sld [smem:$0x3FB9];
	_ =	sdelay $0x3  }
0x37: {  	[smem:$0x3FB9] =	sst s10  }
0x38: {  	s10 =	sld [smem:$0x3FBA]  }
0x39: {  	_ = 	snop;
	(pc) =	sbr.ind lr, $3  }
0x3a: {  	_ = 	snop  }
0x3b: {  	_ = 	snop  }
0x3c: {  	p2 =	seq.s32 s10, $0x1;
	s10 =	sld [smem:$0x3FB9]  }
0x3d: {  	_ =	shalt  }
0x3e: {  	_ =	shalt  }
0x3f: {  	_ =	shalt  }
0x40: {  	_ =	shalt  }
0x41: {  	_ =	shalt  }
0x42: {  	_ =	shalt  }
0x43: {  	_ =	shalt  }
0x44: {  	_ =	shalt  }
0x45: {  	_ =	shalt  }
0x46: {  	_ =	shalt  }
0x47: {  	_ =	shalt  }
0x48: {  	_ =	shalt  }
0x49: {  	_ =	shalt  }
0x4a: {  	_ =	shalt  }
0x4b: {  	_ =	shalt  }
0x4c: {  	_ =	shalt  }
0x4d: {  	_ =	shalt  }
0x4e: {  	_ =	shalt  }
0x4f: {  	_ =	shalt  }
0x50: {  	_ =	shalt  }
0x51: {  	_ =	shalt  }
0x52: {  	_ =	shalt  }
0x53: {  	_ =	shalt  }
0x54: {  	_ =	shalt  }
0x55: {  	_ =	shalt  }
0x56: {  	_ =	shalt  }
0x57: {  	_ =	shalt  }
0x58: {  	_ =	shalt  }
0x59: {  	_ =	shalt  }
0x5a: {  	_ =	shalt  }
0x5b: {  	_ =	shalt  }
0x5c: {  	_ =	shalt  }
0x5d: {  	_ =	shalt  }
0x5e: {  	_ =	shalt  }
0x5f: {  	_ =	shalt  }
0x60: {  	_ =	shalt  }
0x61: {  	_ =	shalt  }
0x62: {  	_ =	shalt  }
0x63: {  	_ =	shalt  }
0x64: {  	_ =	shalt  }
0x65: {  	_ =	shalt  }
0x66: {  	_ =	shalt  }
0x67: {  	_ =	shalt  }
0x68: {  	_ =	shalt  }
0x69: {  	_ =	shalt  }
0x6a: {  	_ =	shalt  }
0x6b: {  	_ =	shalt  }
0x6c: {  	_ =	shalt  }
0x6d: {  	_ =	shalt  }
0x6e: {  	_ =	shalt  }
0x6f: {  	_ =	shalt  }
0x70: {  	_ =	shalt  }
0x71: {  	_ =	shalt  }
0x72: {  	_ =	shalt  }
0x73: {  	_ =	shalt  }
0x74: {  	_ =	shalt  }
0x75: {  	_ =	shalt  }
0x76: {  	_ =	shalt  }
0x77: {  	_ =	shalt  }
0x78: {  	_ =	shalt  }
0x79: {  	_ =	shalt  }
0x7a: {  	_ =	shalt  }
0x7b: {  	_ =	shalt  }
0x7c: {  	_ =	shalt  }
0x7d: {  	_ =	shalt  }
0x7e: {  	_ =	shalt  }
0x7f: {  	_ =	shalt  }
0x80: {  	_ =	shalt  }
0x81: {  	_ =	shalt  }
0x82: {  	_ =	shalt  }
0x83: {  	_ =	shalt  }
0x84: {  	_ =	shalt  }
0x85: {  	_ =	shalt  }
0x86: {  	_ =	shalt  }
0x87: {  	_ =	shalt  }
.Lfunc_end0:
.L_simem_size_0:
called_computation_lowered:
.L_overlay_start_0:
0x88: {  	s0 =	sld [smem:$0x3FD9]  }
0x89: {  	s1 =	sld [smem:$0x3FFE];
	_ =	sdelay $0x3  }
0x8a: {  	s0 =	sadd.s32 s1, s0  }
0x8b: {  	[smem:$0x3FC5] =	sst s0  }
0x8c: {  	_ = 	snop  }
0x8d: {  	s0 =	sld [smem:$0x3FC9]  }
0x8e: {  	s17 =	sld [smem:$0x3FC8]  }
0x8f: {  	s2 =	sld [smem:$0x3FC7]  }
0x90: {  	s3 =	sld [smem:$0x3FD0];
	(tm) =	ssettm $0x1  }
0x91: {  	s4 =	sld [smem:$0x3FFB];
	_ =	sdelay $0x3  }
0x92: {  	_ =	strace s4  }
0x93: {  	s4 =	sld [smem:$0x3FFC];
	_ =	sdelay $0x3  }
0x94: {  	_ =	strace s4  }
0x95: {  	s4 =	sld [smem:$0x3FFD];
	_ =	sdelay $0x3  }
0x96: {  	_ =	strace s4  }
0x97: {  	_ =	strace $0x8FFFFFFF  }
0x98: {  	s18 =	sld [smem:$0x3FDB];
	_ =	sdelay $0x1  }
0x99: {  	s5 =	simm.s32 $_scs_section_size  }
0x9a: {  	s6 =	simm.s32 $_size__tile_overlayer_lowered;
	s7 =	simm.s32 $_tile_overlayer_lowered  }
0x9b: {  	s21 =	simm.s32 $0x1BFF;
	s20 =	sshll.u32 s7, $0x1;
	s4 =	sadd.s32 s5, s18  }
0x9c: {  	s8 =	simm.s32 $0x0;
	s19 =	sshll.u32 s6, $0x1;
	s6 =	sadd.s32 s20, s4  }
0x9d: {  	[timem:s8], [sflag:s21] =	dma.local [hbm:s6], s19  }
0x9e: {  	_ =	swait.ge [sflag:s21], s19  }
0x9f: {  	s5 =	ssub.s32 $0x0, s19;
	[sflag:s21] =	ssyncset.done $0x0  }
0xa0: {  	[sflag:s21] =	ssyncadd.s32 s5;
	_ =	sdelay $0x1  }
0xa1: {  	s22 =	simm.s32 $0x1B8B  }
0xa2: {  	_ =	swait.ge [sflag:s22], $0x1  }
0xa3: {  	[sflag:s22] =	ssyncset.done $0x0  }
0xa4: {  	s23 =	simm.s32 $0x1B8E;
	[sflag:s22] =	ssyncadd.s32 $0xFFFFFFFF  }
0xa5: {  	s24 =	simm.s32 $execute0_lowered;
	[smem:$0x3FD2] =	sst s23  }
0xa6: {  	s5 =	sshll.u32 s24, $0x1;
	_ =	strace $0x80000046;
	[dreg:$0x1] =	wrdreg $0xFFFFFFFF  }
0xa7: {  	s25 =	simm.s32 $_size_execute0_lowered;
	s4 =	sadd.s32 s4, s5;
	[dreg:$0x0] =	wrdreg $0x0  }
0xa8: {  	s5 =	sshll.u32 s25, $0x1;
	[dreg:$0x2] =	wrdreg s4  }
0xa9: {  	[dreg:$0x3] =	wrdreg s5  }
0xaa: {  	[dreg:$0x4] =	wrdreg $0xC0  }
0xab: {  	_ =	task [dreg:s8], $0x5FFFF  }
0xac: {  	[dreg:$0x1] =	wrdreg $0xFFFFFFFF  }
0xad: {  	[dreg:$0x0] =	wrdreg $0x60  }
0xae: {  	[dreg:$0x2] =	wrdreg s0  }
0xaf: {  	[dreg:$0x3] =	wrdreg s17  }
0xb0: {  	[dreg:$0x4] =	wrdreg s2  }
0xb1: {  	[dreg:$0x5] =	wrdreg s3  }
0xb2: {  	[dreg:$0x6] =	wrdreg $0x0  }
0xb3: {  	[dreg:$0x7] =	wrdreg $0x9  }
0xb4: {  	_ =	task.clear_ibuf [dreg:s8], $0x8FFFF;
	_ =	strace $0x90000046  }
0xb5: {  	s26 =	simm.s32 $0x9;
	_ =	strace $0x80000048  }
0xb6: {  	_ =	swait.ge [sflag:s26], $0x1  }
0xb7: {  	[sflag:s26] =	ssyncadd.s32 $0xFFFFFFFF  }
0xb8: {  	_ =	strace $0x90000048  }
0xb9: {  	_ =	sfence  }
0xba: {  	s28 =	sld [smem:$0x0];
	_ =	sdelay $0x1  }
0xbb: {  	s29 =	srdreg.scid  }
0xbc: {  	s30 =	sshll.u32 s29, $0xD;
	s31 =	sshrl.u32 s29, $0x2  }
0xbd: {  	s1 =	sand.u32 $0x1, s29;
	s2 =	sand.u32 $0x4000, s30;
	s0 =	sadd.s32 s31, s28  }
0xbe: {  	s1 =	sor.u32 s2, s1;
	s0 =	sshll.u32 s0, $0x11  }
0xbf: {  	s0 =	sor.u32 s0, s1  }
0xc0: {  	s0 =	sadd.s32 $0x8F2B, s0  }
0xc1: {  	[sflag:s0] =	ssyncadd.remote.s32 $0x1  }
0xc2: {  	_ =	sfence.sel $0xFFFF  }
0xc3: {  	[dreg:$0x0] =	wrdreg $0xFFFFFFFF;
	(pc) =	sbr.abs _section_cstart, $3  }
0xc4: {  	[dreg:$0x1] =	wrdreg $0xFFFFFFFF  }
0xc5: {  	_ =	task.clear_ibuf [dreg:s8], $0x2FFFF;
	_ =	strace $0x9FFFFFFF  }
0xc6: {  	(tm) =	ssettm $0x7FFFFFFF  }
0xc7: {  	_ =	shalt  }
tec
execute0_lowered:
.L_overlay_start_1:
0x0: {  	(tag) =	ssettag $0x1  }
0x1: {  	s13 =	rddreg [dreg:$0x0]  }
0x2: {  	s12 =	rddreg [dreg:$0x1]  }
0x3: {  	s14 =	rddreg [dreg:$0x2]  }
0x4: {  	s2 =	rddreg [dreg:$0x3];
	s1 =	stileid.u32  }
0x5: {  	s10 =	rddreg [dreg:$0x4];
	s15 =	smul.u32 $0xF440, s1  }
0x6: {  	s0 =	rddreg [dreg:$0x5];
	s3 =	simm.s32 $0x0;
	s9 =	simm.s32 $0x17428  }
0x7: {  	[smem:$0x7FF] =	sst s3;
	s7 =	sshrl.u32 s15, $0x3;
	s16 =	sadd.s32 $0x3D10, s15  }
0x8: {  	_ =	strace $0x80000047;
	s4 =	sadd.s32 s13, s7;
	s6 =	sshrl.u32 s16, $0x3  }
0x9: {  	[tilespmem:s9], [sflag:$0x2] =	stream.linear.gather [hbm4b:s4+s3], $0x3D10, $0x38;
	[tilespmem:$0x1EF28] =	vst v63  }
0xa: {  	s8 =	simm.s32 $0x1B1A8;
	s5 =	simm.s32 $0x2;
	s20 =	sadd.s32 s13, s6  }
0xb: {  	[tilespmem:s8], [sflag:$0x2] =	stream.linear.gather [hbm4b:s20+s3], $0x3D10, $0x38;
	[tilespmem:$0x1EF28] =	vst v63  }
0xc: {  	_ =	swait.ge [sflag:s5], $0x3D10  }
0xd: {  	[sflag:s5] =	ssyncset.done $0x0  }
0xe: {  	s17 =	sadd.s32 s15, s10;
	s4 =	simm.s32 $0x3;
	[sflag:s5] =	ssyncadd.s32 $0xFFFFC2F0  }
0xf: {  	[spmem:s17] =	stream.linear.scatter [tilespmem:s9], [sflag:$0x3], $0x3D10, $0x38;
	[tilespmem:$0x1EF28] =	vst v63  }
0x10: {  	s18 =	sadd.s32 $0x7A20, s15;
	_ =	swait.ge [sflag:s4], $0x3D10  }
0x11: {  	s11 =	sshrl.u32 s18, $0x3;
	[sflag:s4] =	ssyncset.done $0x0  }
0x12: {  	s19 =	sadd.s32 s13, s11;
	s20 =	sshll.u32 s1, $0xB;
	[sflag:s4] =	ssyncadd.s32 $0xFFFFC2F0  }
0x13: {  	[tilespmem:s9], [sflag:$0x2] =	stream.linear.gather [hbm4b:s19+s3], $0x3D10, $0x38;
	[tilespmem:$0x1EF28] =	vst v63  }
0x14: {  	s22 =	simm.s32 $0xF428;
	s21 =	sadd.s32 s12, s20  }
0x15: {  	[tilespmem:s22], [sflag:$0x1] =	stream.linear.gather [hbm4b:s21+s3], $0x4000, $0x38;
	[tilespmem:$0x1EF28] =	vst v63  }
0x16: {  	_ =	swait.ge [sflag:s5], $0x3D10  }
0x17: {  	[sflag:s5] =	ssyncset.done $0x0  }
0x18: {  	s15 =	smin.u32 s15, $0xE4E00;
	s16 =	sadd.s32 s16, s10;
	[sflag:s5] =	ssyncadd.s32 $0xFFFFC2F0  }
0x19: {  	[spmem:s16] =	stream.linear.scatter [tilespmem:s8], [sflag:$0x3], $0x3D10, $0x38;
	[tilespmem:$0x1EF28] =	vst v63  }
0x1a: {  	s15 =	sadd.s32 $0xB730, s15;
	_ =	swait.ge [sflag:s4], $0x3D10  }
0x1b: {  	s23 =	sshrl.u32 s15, $0x3;
	[sflag:s4] =	ssyncset.done $0x0  }
0x1c: {  	s13 =	sadd.s32 s13, s23;
	[sflag:s4] =	ssyncadd.s32 $0xFFFFC2F0  }
0x1d: {  	[tilespmem:s8], [sflag:$0x2] =	stream.linear.gather [hbm4b:s13+s3], $0x3D10, $0x38;
	[tilespmem:$0x1EF28] =	vst v63  }
0x1e: {  	s25 =	simm.s32 $0x13428;
	s24 =	sadd.s32 s14, s20  }
0x1f: {  	[tilespmem:s25], [sflag:$0x1] =	stream.linear.gather [hbm4b:s24+s3], $0x4000, $0x38;
	[tilespmem:$0x1EF28] =	vst v63  }
0x20: {  	_ =	swait.ge [sflag:s5], $0x3D10  }
0x21: {  	[sflag:s5] =	ssyncset.done $0x0  }
0x22: {  	s26 =	sadd.s32 s18, s10;
	[sflag:s5] =	ssyncadd.s32 $0xFFFFC2F0  }
0x23: {  	[spmem:s26] =	stream.linear.scatter [tilespmem:s9], [sflag:$0x3], $0x3D10, $0x38;
	[tilespmem:$0x1EF28] =	vst v63  }
0x24: {  	_ =	swait.ge [sflag:s5], $0x3D10  }
0x25: {  	[sflag:s5] =	ssyncset.done $0x0  }
0x26: {  	s15 =	sadd.s32 s15, s10;
	[sflag:s5] =	ssyncadd.s32 $0xFFFFC2F0  }
0x27: {  	[spmem:s15] =	stream.linear.scatter [tilespmem:s8], [sflag:$0x3], $0x3D10, $0x38;
	[tilespmem:$0x1EF28] =	vst v63  }
0x28: {  	_ =	swait.ge [sflag:s4], $0x3D10  }
0x29: {  	[sflag:s4] =	ssyncset.done $0x0  }
0x2a: {  	[sflag:s4] =	ssyncadd.s32 $0xFFFFC2F0  }
0x2b: {  	_ =	swait.ge [sflag:s4], $0x3D10  }
0x2c: {  	[sflag:s4] =	ssyncset.done $0x0  }
0x2d: {  	s28 =	simm.s32 $0x1;
	[sflag:s4] =	ssyncadd.s32 $0xFFFFC2F0  }
0x2e: {  	_ =	swait.ge [sflag:s28], $0x4000  }
0x2f: {  	[sflag:s28] =	ssyncset.done $0x0  }
0x30: {  	[sflag:s28] =	ssyncadd.s32 $0xFFFFC000  }
0x31: {  	_ =	swait.ge [sflag:s28], $0x4000  }
0x32: {  	[sflag:s28] =	ssyncset.done $0x0  }
0x33: {  	[sflag:s28] =	ssyncadd.s32 $0xFFFFC000  }
0x34: {  	s29 =	simm.s32 $0x4000;
	s30 =	simm.s32 $0x4;
	[bflag:$0x0] =	sbarrier.arrive $0xFFFF  }
0x35: {  	[spmem:s10] =	stream.indirect.scatter.add.s32 [tilespmem:s25], [sflag:$0x4], $0x1, s22, s29, $0xb8;
	[tilespmem:$0x1EF28] =	vst v63  }
0x36: {  	_ =	swait.ge [sflag:s30], $0x4000  }
0x37: {  	[sflag:s30] =	ssyncset.done $0x0  }
0x38: {  	[sflag:s30] =	ssyncadd.s32 $0xFFFFC000  }
0x39: {  	[bflag:$0x0] =	sbarrier.arrive $0xFFFF  }
0x3a: {  	[tilespmem:s9], [sflag:$0x2] =	stream.linear.gather [spmem:s17], $0x3D10, $0x38;
	[tilespmem:$0x1EF28] =	vst v63  }
0x3b: {  	_ = 	snop  }
0x3c: {  	[tilespmem:s8], [sflag:$0x2] =	stream.linear.gather [spmem:s16], $0x3D10, $0x38;
	[tilespmem:$0x1EF28] =	vst v63  }
0x3d: {  	_ = 	snop  }
0x3e: {  	[tilespmem:s22], [sflag:$0x2] =	stream.linear.gather [spmem:s26], $0x3D10, $0x38;
	[tilespmem:$0x1EF28] =	vst v63  }
0x3f: {  	_ = 	snop  }
0x40: {  	[tilespmem:s25], [sflag:$0x2] =	stream.linear.gather [spmem:s15], $0x3D10, $0x38;
	[tilespmem:$0x1EF28] =	vst v63  }
0x41: {  	_ =	swait.ge [sflag:s5], $0x3D10  }
0x42: {  	[sflag:s5] =	ssyncset.done $0x0  }
0x43: {  	s7 =	sadd.s32 s2, s7;
	[sflag:s5] =	ssyncadd.s32 $0xFFFFC2F0  }
0x44: {  	[hbm4b:s7+s3] =	stream.linear.scatter [tilespmem:s9], [sflag:$0x3], $0x3D10, $0x38;
	[tilespmem:$0x1EF28] =	vst v63  }
0x45: {  	_ =	swait.ge [sflag:s5], $0x3D10  }
0x46: {  	[sflag:s5] =	ssyncset.done $0x0  }
0x47: {  	s6 =	sadd.s32 s2, s6;
	[sflag:s5] =	ssyncadd.s32 $0xFFFFC2F0  }
0x48: {  	[hbm4b:s6+s3] =	stream.linear.scatter [tilespmem:s8], [sflag:$0x3], $0x3D10, $0x38;
	[tilespmem:$0x1EF28] =	vst v63  }
0x49: {  	_ =	swait.ge [sflag:s5], $0x3D10  }
0x4a: {  	[sflag:s5] =	ssyncset.done $0x0  }
0x4b: {  	s31 =	sadd.s32 s2, s11;
	[sflag:s5] =	ssyncadd.s32 $0xFFFFC2F0  }
0x4c: {  	[hbm4b:s31+s3] =	stream.linear.scatter [tilespmem:s22], [sflag:$0x3], $0x3D10, $0x38;
	[tilespmem:$0x1EF28] =	vst v63  }
0x4d: {  	_ =	swait.ge [sflag:s5], $0x3D10  }
0x4e: {  	[sflag:s5] =	ssyncset.done $0x0  }
0x4f: {  	s2 =	sadd.s32 s2, s23;
	[sflag:s5] =	ssyncadd.s32 $0xFFFFC2F0  }
0x50: {  	[hbm4b:s2+s3] =	stream.linear.scatter [tilespmem:s25], [sflag:$0x3], $0x3D10, $0x38;
	[tilespmem:$0x1EF28] =	vst v63  }
0x51: {  	_ =	swait.ge [sflag:s4], $0x3D10  }
0x52: {  	[sflag:s4] =	ssyncset.done $0x0  }
0x53: {  	[sflag:s4] =	ssyncadd.s32 $0xFFFFC2F0  }
0x54: {  	_ =	swait.ge [sflag:s4], $0x3D10  }
0x55: {  	[sflag:s4] =	ssyncset.done $0x0  }
0x56: {  	[sflag:s4] =	ssyncadd.s32 $0xFFFFC2F0  }
0x57: {  	_ =	swait.ge [sflag:s4], $0x3D10  }
0x58: {  	[sflag:s4] =	ssyncset.done $0x0  }
0x59: {  	[sflag:s4] =	ssyncadd.s32 $0xFFFFC2F0  }
0x5a: {  	_ =	swait.ge [sflag:s4], $0x3D10  }
0x5b: {  	[sflag:s4] =	ssyncset.done $0x0  }
0x5c: {  	[sflag:s4] =	ssyncadd.s32 $0xFFFFC2F0  }
0x5d: {  	_ =	sfence.sel $0x180000  }
0x5e: {  	[bflag:$0x0] =	sbarrier.arrive $0xFFFF  }
0x5f: {  	p0 =	sne.s32 s1, $0x0;
	_ =	strace $0x90000047  }
0x60: {  	s0 =	sadd.s32 @!p0 $0x100000, s0;
	[bflag:$0x2] =	sbarrier.arrive $0xFFFF  }
0x61: {  	[sflag:s0] =	ssyncadd.tile.s32 @!p0 $0x1;
	_ =	shalt  }
.Lfunc_end2:
_tile_overlayer_lowered:
.L_overlay_start_2:
0x62: {  	(tag) =	ssettag $0x2  }
0x63: {  	s0 =	rddreg [dreg:$0x0];
	s2 =	stileid.u32  }
0x64: {  	s1 =	rddreg [dreg:$0x1];
	p0 =	sne.s32 s2, $0x0  }
0x65: {  	s3 =	rddreg [dreg:$0x2];
	[bflag:$0x3] =	sbarrier.arrive $0xFFFF;
	s2 =	simm.s32 @!p0 $0x1C04  }
0x66: {  	[timem:s3], [sflag:s2] =	dma.local @!p0 [hbm:s0], s1  }
0x67: {  	s0 =	simm.s32 @!p0 $0x4  }
0x68: {  	_ =	swait.ge @!p0 [sflag:s0], s1  }
0x69: {  	s1 =	ssub.s32 @!p0 $0x0, s1;
	[sflag:s0] =	ssyncset.done @!p0 $0x0  }
0x6a: {  	[sflag:s0] =	ssyncadd.s32 @!p0 s1  }
0x6b: {  	[bflag:$0x3] =	sbarrier.arrive $0xFFFF  }
0x6c: {  	_ =	shalt  }

</sc_bundles>
